<compile_context>
chip_gen: v7x
topology: tpu7x:2x2x1
jax: 0.10.2.dev20260603
libtpu: 0.0.44.dev20260713+nightly
codegen_flags: <defaults>
</compile_context>

<pallas_src>
import functools

import jax
import jax.numpy as jnp
from jax import lax
from jax.experimental import pallas as pl
from jax.experimental.pallas import tpu as pltpu
from jax.experimental.pallas import tpu_sc as plsc

N_NODES = 10000
N_EDGES = 320000
INC = 128
OUTC = 128
KVOL = 27

NC = 2
NS = 16
NW = NC * NS
CH = 80
NCH = 128
NBUF = 4
NQ = 4
NCHQ = NCH // NQ
E_PAD = NW * NCH * CH
NPAD = 10112
RPT = NPAD // NS


def _mm_body(x_ref, w_ref, o_ref):
    o_ref[...] = jnp.dot(x_ref[...], w_ref[0],
                         preferred_element_type=jnp.float32)


def _matmul(x, W):
    n = x.shape[0]
    return pl.pallas_call(
        _mm_body,
        grid=(KVOL,),
        in_specs=[
            pl.BlockSpec((n, INC), lambda k: (0, 0)),
            pl.BlockSpec((1, INC, OUTC), lambda k: (k, 0, 0)),
        ],
        out_specs=pl.BlockSpec((n, OUTC), lambda k: (k, 0)),
        out_shape=jax.ShapeDtypeStruct((KVOL * n, OUTC), jnp.float32),
    )(x, W)


QSZ = (NCH // NQ) * CH


def _sc_body(h_hbm, zeros_hbm, gidx_hbm, didx_hbm, out_hbm,
             gv, dv, rows, gsems, ssems, acc):
    cid = lax.axis_index("c")
    sid = lax.axis_index("s")
    wid = sid * NC + cid
    pltpu.sync_copy(zeros_hbm, acc.at[pl.ds(sid * RPT, RPT)])
    plsc.subcore_barrier()

    @pl.loop(0, NQ)
    def _quarter(qi):
        pltpu.sync_copy(gidx_hbm.at[pl.ds((wid * NQ + qi) * QSZ, QSZ)], gv)
        pltpu.sync_copy(didx_hbm.at[wid * NQ + qi], dv)
        for b in range(NBUF):
            pltpu.async_copy(h_hbm.at[gv.at[pl.ds(b * CH, CH)]],
                             rows[b], gsems[b])

        @pl.loop(0, NCHQ, step=NBUF)
        def _chunk(ci):
            for b in range(NBUF):
                pltpu.make_async_copy(h_hbm.at[gv.at[pl.ds((ci + b) * CH, CH)]],
                                      rows[b], gsems[b]).wait()
                pltpu.async_copy(rows[b], acc.at[dv.at[ci + b]],
                                 ssems[b], add=True)
            for b in range(NBUF):
                pltpu.make_async_copy(rows[b], acc.at[dv.at[ci + b]],
                                      ssems[b]).wait()

                @pl.when(ci + NBUF + b < NCHQ)
                def _g():
                    pltpu.async_copy(
                        h_hbm.at[gv.at[pl.ds((ci + NBUF + b) * CH, CH)]],
                        rows[b], gsems[b])

    plsc.subcore_barrier()
    pltpu.sync_copy(acc.at[pl.ds(sid * RPT, RPT)],
                    out_hbm.at[cid, pl.ds(sid * RPT, RPT)])


@functools.cache
def _sc_scatter():
    return pl.kernel(
        _sc_body,
        out_type=jax.ShapeDtypeStruct((NC, NPAD, OUTC), jnp.float32),
        mesh=plsc.VectorSubcoreMesh(core_axis_name="c", subcore_axis_name="s"),
        scratch_types=[
            pltpu.VMEM((QSZ,), jnp.int32),
            pltpu.VMEM((NCHQ, CH), jnp.int32),
            [pltpu.VMEM((CH, OUTC), jnp.float32) for _ in range(NBUF)],
            [pltpu.SemaphoreType.DMA for _ in range(NBUF)],
            [pltpu.SemaphoreType.DMA for _ in range(NBUF)],
            pltpu.VMEM_SHARED((NPAD, OUTC), jnp.float32),
        ],
    )


def _bn_body(p_ref, g_ref, b_ref, o_ref):
    n = o_ref.shape[0]
    s = p_ref[0, :n] + p_ref[1, :n]
    mean = jnp.sum(s, axis=0, keepdims=True) / n
    d = s - mean
    var = jnp.sum(d * d, axis=0, keepdims=True) / n
    y = d * lax.rsqrt(var + 1e-5) * g_ref[...] + b_ref[...]
    o_ref[...] = jnp.where(y >= 0, y, 0.01 * y)


def _bn(partials, gamma, beta, n):
    return pl.pallas_call(
        _bn_body,
        out_shape=jax.ShapeDtypeStruct((n, OUTC), jnp.float32),
    )(partials, gamma.reshape(1, OUTC), beta.reshape(1, OUTC))


def kernel(x, edge_index, koff, W, gamma, beta):
    n = x.shape[0]
    h = _matmul(x, W)

    src = edge_index[0]
    dst = edge_index[1]
    gidx = (koff * n + src).astype(jnp.int32)
    pad = E_PAD - N_EDGES
    pad_ar = jnp.arange(pad, dtype=jnp.int32)
    gidx_t = jnp.concatenate([gidx, pad_ar])
    didx_t = jnp.concatenate(
        [dst.astype(jnp.int32), n + pad_ar % (NPAD - n)]).reshape(NW * NQ, NCHQ, CH)
    zeros = jnp.zeros((RPT, OUTC), jnp.float32)

    partials = _sc_scatter()(h, zeros, gidx_t, didx_t)
    return _bn(partials, gamma, beta, n)

# --- scband reference (transcript-rebuilt; emitter-appended) ---
"""Pipeline reference for scband-basic-convolution-block-24266565222402 (READ-ONLY COPY).

The authoritative reference and input builder live on the scoring server;
editing this copy changes nothing except your own understanding.
"""

import jax, jax.numpy as jnp
import numpy as np

N_NODES = 10000
N_EDGES = 320000
INC = 128
OUTC = 128
KVOL = 27  # ks=3 -> 3^3 kernel offsets


def setup_inputs(seed: int = 0) -> dict:
    key = jax.random.key(seed)
    k1, k2, k3, k4, k5, k6 = jax.random.split(key, 6)
    x = jax.random.normal(k1, (N_NODES, INC), dtype=jnp.float32)
    edge_index = jax.random.randint(k2, (2, N_EDGES), 0, N_NODES)
    koff = jax.random.randint(k3, (N_EDGES,), 0, KVOL)
    # spnn.Conv3d weight: one [inc, outc] matrix per kernel offset
    W = jax.random.normal(k4, (KVOL, INC, OUTC), dtype=jnp.float32) * (1.0 / np.sqrt(INC * KVOL))
    gamma = jnp.ones((OUTC,), dtype=jnp.float32)
    beta = jnp.zeros((OUTC,), dtype=jnp.float32)
    return {"x": x, "edge_index": edge_index, "koff": koff, "W": W, "gamma": gamma, "beta": beta}


def reference(x, edge_index, koff, W, gamma, beta):
    # Sparse 3D convolution modeled as gather -> per-offset matmul -> scatter-add
    # (torchsparse kernel map = (src, dst, kernel_offset) triples).
    src = edge_index[0]
    dst = edge_index[1]
    n = x.shape[0]
    kvol, inc, outc = W.shape
    # Precompute x @ W[k] for all offsets, then per-edge select h[src, koff]
    h = jnp.einsum('nd,kdo->nko', x, W).reshape(n * kvol, outc)
    msgs = h[src * kvol + koff]  # gather [E, outc]
    out = jax.ops.segment_sum(msgs, dst, num_segments=n)  # scatter-add
    # spnn.BatchNorm (training-mode batch statistics over nodes)
    mean = jnp.mean(out, axis=0)
    var = jnp.var(out, axis=0)
    out = (out - mean) / jnp.sqrt(var + 1e-5) * gamma + beta
    # spnn.LeakyReLU (default negative_slope=0.01)
    out = jnp.where(out >= 0, out, 0.01 * out)
    return out

if __name__ == "__main__":
    import jax
    _d = setup_inputs()
    print(jax.jit(kernel)(*tuple(_d.values())))

</pallas_src>

<mosaic_0001>
#map = affine_map<(d0, d1) -> (0, 0)>
#map1 = affine_map<(d0, d1) -> (0)>
#map2 = affine_map<(d0, d1) -> (0, 0, 0)>
module attributes {stable_mosaic.version = 14 : i64} {
  func.func @_sc_body(%arg0: i32, %arg1: i32, %arg2: memref<270000x128xf32, #tpu.memory_space<hbm>>, %arg3: memref<632x128xf32, #tpu.memory_space<hbm>>, %arg4: memref<327680xi32, #tpu.memory_space<hbm>>, %arg5: memref<128x32x80xi32, #tpu.memory_space<hbm>>, %arg6: memref<2x10112x128xf32, #tpu.memory_space<hbm>>, %arg7: memref<2560xi32, #tpu.memory_space<vmem>>, %arg8: memref<32x80xi32, #tpu.memory_space<vmem>>, %arg9: memref<80x128xf32, #tpu.memory_space<vmem>>, %arg10: memref<80x128xf32, #tpu.memory_space<vmem>>, %arg11: memref<80x128xf32, #tpu.memory_space<vmem>>, %arg12: memref<80x128xf32, #tpu.memory_space<vmem>>, %arg13: memref<!tpu.dma_semaphore, #tpu.memory_space<semaphore_mem>>, %arg14: memref<!tpu.dma_semaphore, #tpu.memory_space<semaphore_mem>>, %arg15: memref<!tpu.dma_semaphore, #tpu.memory_space<semaphore_mem>>, %arg16: memref<!tpu.dma_semaphore, #tpu.memory_space<semaphore_mem>>, %arg17: memref<!tpu.dma_semaphore, #tpu.memory_space<semaphore_mem>>, %arg18: memref<!tpu.dma_semaphore, #tpu.memory_space<semaphore_mem>>, %arg19: memref<!tpu.dma_semaphore, #tpu.memory_space<semaphore_mem>>, %arg20: memref<!tpu.dma_semaphore, #tpu.memory_space<semaphore_mem>>, %arg21: memref<10112x128xf32, #tpu.memory_space<vmem_shared>>) attributes {dimension_semantics = [#tpu.dimension_semantics<core_parallel>, #tpu.dimension_semantics<subcore_parallel>], iteration_bounds = array<i64: 2, 16>, scalar_prefetch = 0 : i64, scratch_operands = 15 : i64, tpu.core_type = #tpu.core_type<sc_vector_subcore>, window_params = [{transform_indices = #map}, {transform_indices = #map}, {transform_indices = #map1}, {transform_indices = #map2}, {transform_indices = #map2}]} {
    %mul3A = arith.constant 2 : i32
    %mul3A_0 = arith.muli %arg1, %mul3A : i32
    %add3A = arith.addi %mul3A_0, %arg0 : i32
    %mul3A_1 = arith.constant 632 : i32
    %mul3A_2 = arith.muli %arg1, %mul3A_1 : i32
    "tpu.region"() ({
      %run_scoped3A = tpu.sem_alloc : memref<!tpu.dma_semaphore, #tpu.memory_space<semaphore_mem>>
      %dma_start3A = arith.constant 0 : i32
      %dma_start3A_12 = tpu.memref_slice %arg21[%mul3A_2, %dma_start3A] : memref<10112x128xf32, #tpu.memory_space<vmem_shared>> -> memref<632x128xf32, #tpu.memory_space<vmem_shared>>
      tpu.enqueue_dma source(%arg3 : memref<632x128xf32, #tpu.memory_space<hbm>>) target(%dma_start3A_12 : memref<632x128xf32, #tpu.memory_space<vmem_shared>>) target_semaphore(%run_scoped3A : memref<!tpu.dma_semaphore, #tpu.memory_space<semaphore_mem>>)
      %dma_wait3A = arith.constant 0 : i32
      %dma_wait3A_13 = tpu.memref_slice %arg21[%mul3A_2, %dma_wait3A] : memref<10112x128xf32, #tpu.memory_space<vmem_shared>> -> memref<632x128xf32, #tpu.memory_space<vmem_shared>>
      tpu.wait_dma2 semaphore(%run_scoped3A : memref<!tpu.dma_semaphore, #tpu.memory_space<semaphore_mem>>) src(%arg3 : memref<632x128xf32, #tpu.memory_space<hbm>>) dst(%dma_wait3A_13 : memref<632x128xf32, #tpu.memory_space<vmem_shared>>)
      tpu.yield
    }) : () -> ()
    %barrier3A = arith.constant 0 : index
    tpu.barrier barrier_id(%barrier3A)
    %scan3A = arith.constant 0 : i32
    %scan3A_3 = arith.constant 4 : i32
    %scan3A_4 = arith.addi %scan3A, %scan3A_3 : i32
    %scan3A_5 = arith.constant 1 : i32
    scf.for %scan3A_12 = %scan3A to %scan3A_4 step %scan3A_5  : i32 {
      %mul3A_13 = arith.constant 1 : i32
      %mul3A_14 = arith.muli %scan3A_12, %mul3A_13 : i32
      %add3A_15 = arith.constant 0 : i32
      %add3A_16 = arith.addi %add3A_15, %mul3A_14 : i32
      %mul3A_17 = arith.constant 4 : i32
      %mul3A_18 = arith.muli %add3A, %mul3A_17 : i32
      %add3A_19 = arith.addi %mul3A_18, %add3A_16 : i32
      %mul3A_20 = arith.constant 2560 : i32
      %mul3A_21 = arith.muli %add3A_19, %mul3A_20 : i32
      "tpu.region"() ({
        %run_scoped3A = tpu.sem_alloc : memref<!tpu.dma_semaphore, #tpu.memory_space<semaphore_mem>>
        %dma_start3A_49 = tpu.memref_slice %arg4[%mul3A_21] : memref<327680xi32, #tpu.memory_space<hbm>> -> memref<2560xi32, #tpu.memory_space<hbm>>
        %dma_start3A_50 = tpu.memref_slice %arg4[%mul3A_21] : memref<327680xi32, #tpu.memory_space<hbm>> -> memref<2560xi32, #tpu.memory_space<hbm>>
        tpu.enqueue_dma source(%dma_start3A_50 : memref<2560xi32, #tpu.memory_space<hbm>>) target(%arg7 : memref<2560xi32, #tpu.memory_space<vmem>>) target_semaphore(%run_scoped3A : memref<!tpu.dma_semaphore, #tpu.memory_space<semaphore_mem>>)
        %dma_wait3A = tpu.memref_slice %arg4[%mul3A_21] : memref<327680xi32, #tpu.memory_space<hbm>> -> memref<2560xi32, #tpu.memory_space<hbm>>
        %dma_wait3A_51 = tpu.memref_slice %arg4[%mul3A_21] : memref<327680xi32, #tpu.memory_space<hbm>> -> memref<2560xi32, #tpu.memory_space<hbm>>
        tpu.wait_dma2 semaphore(%run_scoped3A : memref<!tpu.dma_semaphore, #tpu.memory_space<semaphore_mem>>) src(%dma_wait3A_51 : memref<2560xi32, #tpu.memory_space<hbm>>) dst(%arg7 : memref<2560xi32, #tpu.memory_space<vmem>>)
        tpu.yield
      }) : () -> ()
      %mul3A_22 = arith.constant 4 : i32
      %mul3A_23 = arith.muli %add3A, %mul3A_22 : i32
      %add3A_24 = arith.addi %mul3A_23, %add3A_16 : i32
      "tpu.region"() ({
        %run_scoped3A = tpu.sem_alloc : memref<!tpu.dma_semaphore, #tpu.memory_space<semaphore_mem>>
        %dma_start3A_49 = arith.constant 0 : i32
        %dma_start3A_50 = arith.constant 0 : i32
        %dma_start3A_51 = tpu.memref_slice %arg5[%add3A_24, %dma_start3A_49, %dma_start3A_50] : memref<128x32x80xi32, #tpu.memory_space<hbm>> -> memref<1x32x80xi32, #tpu.memory_space<hbm>>
        %dma_start3A_52 = tpu.memref_squeeze %dma_start3A_51 : memref<1x32x80xi32, #tpu.memory_space<hbm>> -> memref<32x80xi32, #tpu.memory_space<hbm>>
        %dma_start3A_53 = arith.constant 0 : i32
        %dma_start3A_54 = arith.constant 0 : i32
        %dma_start3A_55 = tpu.memref_slice %arg5[%add3A_24, %dma_start3A_53, %dma_start3A_54] : memref<128x32x80xi32, #tpu.memory_space<hbm>> -> memref<1x32x80xi32, #tpu.memory_space<hbm>>
        %dma_start3A_56 = tpu.memref_squeeze %dma_start3A_55 : memref<1x32x80xi32, #tpu.memory_space<hbm>> -> memref<32x80xi32, #tpu.memory_space<hbm>>
        tpu.enqueue_dma source(%dma_start3A_56 : memref<32x80xi32, #tpu.memory_space<hbm>>) target(%arg8 : memref<32x80xi32, #tpu.memory_space<vmem>>) target_semaphore(%run_scoped3A : memref<!tpu.dma_semaphore, #tpu.memory_space<semaphore_mem>>)
        %dma_wait3A = arith.constant 0 : i32
        %dma_wait3A_57 = arith.constant 0 : i32
        %dma_wait3A_58 = tpu.memref_slice %arg5[%add3A_24, %dma_wait3A, %dma_wait3A_57] : memref<128x32x80xi32, #tpu.memory_space<hbm>> -> memref<1x32x80xi32, #tpu.memory_space<hbm>>
        %dma_wait3A_59 = tpu.memref_squeeze %dma_wait3A_58 : memref<1x32x80xi32, #tpu.memory_space<hbm>> -> memref<32x80xi32, #tpu.memory_space<hbm>>
        %dma_wait3A_60 = arith.constant 0 : i32
        %dma_wait3A_61 = arith.constant 0 : i32
        %dma_wait3A_62 = tpu.memref_slice %arg5[%add3A_24, %dma_wait3A_60, %dma_wait3A_61] : memref<128x32x80xi32, #tpu.memory_space<hbm>> -> memref<1x32x80xi32, #tpu.memory_space<hbm>>
        %dma_wait3A_63 = tpu.memref_squeeze %dma_wait3A_62 : memref<1x32x80xi32, #tpu.memory_space<hbm>> -> memref<32x80xi32, #tpu.memory_space<hbm>>
        tpu.wait_dma2 semaphore(%run_scoped3A : memref<!tpu.dma_semaphore, #tpu.memory_space<semaphore_mem>>) src(%dma_wait3A_63 : memref<32x80xi32, #tpu.memory_space<hbm>>) dst(%arg8 : memref<32x80xi32, #tpu.memory_space<vmem>>)
        tpu.yield
      }) : () -> ()
      %dma_start3A = arith.constant 0 : i32
      %dma_start3A_25 = tpu.memref_slice %arg7[%dma_start3A] : memref<2560xi32, #tpu.memory_space<vmem>> -> memref<80xi32, #tpu.memory_space<vmem>>
      %dma_start3A_26 = arith.constant 0 : i32
      %dma_start3A_27 = arith.constant 0 : i32
      %dma_start3A_28 = tpu.memref_slice %arg2[%dma_start3A_26, %dma_start3A_27] : memref<270000x128xf32, #tpu.memory_space<hbm>> -> memref<270000x128xf32, #tpu.memory_space<hbm>>
      tpu.enqueue_indirect_dma source(%dma_start3A_28 : memref<270000x128xf32, #tpu.memory_space<hbm>>) target(%arg9 : memref<80x128xf32, #tpu.memory_space<vmem>>) offsets(%dma_start3A_25 : memref<80xi32, #tpu.memory_space<vmem>>) semaphore(%arg13 : memref<!tpu.dma_semaphore, #tpu.memory_space<semaphore_mem>>)
      %dma_start3A_29 = arith.constant 80 : i32
      %dma_start3A_30 = tpu.memref_slice %arg7[%dma_start3A_29] : memref<2560xi32, #tpu.memory_space<vmem>> -> memref<80xi32, #tpu.memory_space<vmem>>
      %dma_start3A_31 = arith.constant 0 : i32
      %dma_start3A_32 = arith.constant 0 : i32
      %dma_start3A_33 = tpu.memref_slice %arg2[%dma_start3A_31, %dma_start3A_32] : memref<270000x128xf32, #tpu.memory_space<hbm>> -> memref<270000x128xf32, #tpu.memory_space<hbm>>
      tpu.enqueue_indirect_dma source(%dma_start3A_33 : memref<270000x128xf32, #tpu.memory_space<hbm>>) target(%arg10 : memref<80x128xf32, #tpu.memory_space<vmem>>) offsets(%dma_start3A_30 : memref<80xi32, #tpu.memory_space<vmem>>) semaphore(%arg14 : memref<!tpu.dma_semaphore, #tpu.memory_space<semaphore_mem>>)
      %dma_start3A_34 = arith.constant 160 : i32
      %dma_start3A_35 = tpu.memref_slice %arg7[%dma_start3A_34] : memref<2560xi32, #tpu.memory_space<vmem>> -> memref<80xi32, #tpu.memory_space<vmem>>
      %dma_start3A_36 = arith.constant 0 : i32
      %dma_start3A_37 = arith.constant 0 : i32
      %dma_start3A_38 = tpu.memref_slice %arg2[%dma_start3A_36, %dma_start3A_37] : memref<270000x128xf32, #tpu.memory_space<hbm>> -> memref<270000x128xf32, #tpu.memory_space<hbm>>
      tpu.enqueue_indirect_dma source(%dma_start3A_38 : memref<270000x128xf32, #tpu.memory_space<hbm>>) target(%arg11 : memref<80x128xf32, #tpu.memory_space<vmem>>) offsets(%dma_start3A_35 : memref<80xi32, #tpu.memory_space<vmem>>) semaphore(%arg15 : memref<!tpu.dma_semaphore, #tpu.memory_space<semaphore_mem>>)
      %dma_start3A_39 = arith.constant 240 : i32
      %dma_start3A_40 = tpu.memref_slice %arg7[%dma_start3A_39] : memref<2560xi32, #tpu.memory_space<vmem>> -> memref<80xi32, #tpu.memory_space<vmem>>
      %dma_start3A_41 = arith.constant 0 : i32
      %dma_start3A_42 = arith.constant 0 : i32
      %dma_start3A_43 = tpu.memref_slice %arg2[%dma_start3A_41, %dma_start3A_42] : memref<270000x128xf32, #tpu.memory_space<hbm>> -> memref<270000x128xf32, #tpu.memory_space<hbm>>
      tpu.enqueue_indirect_dma source(%dma_start3A_43 : memref<270000x128xf32, #tpu.memory_space<hbm>>) target(%arg12 : memref<80x128xf32, #tpu.memory_space<vmem>>) offsets(%dma_start3A_40 : memref<80xi32, #tpu.memory_space<vmem>>) semaphore(%arg16 : memref<!tpu.dma_semaphore, #tpu.memory_space<semaphore_mem>>)
      %scan3A_44 = arith.constant 0 : i32
      %scan3A_45 = arith.constant 8 : i32
      %scan3A_46 = arith.addi %scan3A_44, %scan3A_45 : i32
      %scan3A_47 = arith.constant 1 : i32
      scf.for %scan3A_49 = %scan3A_44 to %scan3A_46 step %scan3A_47  : i32 {
        %mul3A_50 = arith.constant 4 : i32
        %mul3A_51 = arith.muli %scan3A_49, %mul3A_50 : i32
        %add3A_52 = arith.constant 0 : i32
        %add3A_53 = arith.addi %add3A_52, %mul3A_51 : i32
        %add3A_54 = arith.constant 0 : i32
        %add3A_55 = arith.addi %add3A_53, %add3A_54 : i32
        %mul3A_56 = arith.constant 80 : i32
        %mul3A_57 = arith.muli %add3A_55, %mul3A_56 : i32
        %dma_wait3A = tpu.memref_slice %arg7[%mul3A_57] : memref<2560xi32, #tpu.memory_space<vmem>> -> memref<80xi32, #tpu.memory_space<vmem>>
        %dma_wait3A_58 = arith.constant 0 : i32
        %dma_wait3A_59 = arith.constant 0 : i32
        %dma_wait3A_60 = tpu.memref_slice %arg2[%dma_wait3A_58, %dma_wait3A_59] : memref<270000x128xf32, #tpu.memory_space<hbm>> -> memref<270000x128xf32, #tpu.memory_space<hbm>>
        tpu.wait_indirect_dma semaphore(%arg13 : memref<!tpu.dma_semaphore, #tpu.memory_space<semaphore_mem>>) src(%dma_wait3A_60 : memref<270000x128xf32, #tpu.memory_space<hbm>>) dst(%arg9 : memref<80x128xf32, #tpu.memory_space<vmem>>)
        %add3A_61 = arith.constant 0 : i32
        %add3A_62 = arith.addi %add3A_53, %add3A_61 : i32
        %dma_start3A_63 = arith.constant 0 : i32
        %dma_start3A_64 = tpu.memref_slice %arg8[%add3A_62, %dma_start3A_63] : memref<32x80xi32, #tpu.memory_space<vmem>> -> memref<1x80xi32, #tpu.memory_space<vmem>>
        %dma_start3A_65 = tpu.memref_squeeze %dma_start3A_64 : memref<1x80xi32, #tpu.memory_space<vmem>> -> memref<80xi32, #tpu.memory_space<vmem>>
        %dma_start3A_66 = arith.constant 0 : i32
        %dma_start3A_67 = arith.constant 0 : i32
        %dma_start3A_68 = tpu.memref_slice %arg21[%dma_start3A_66, %dma_start3A_67] : memref<10112x128xf32, #tpu.memory_space<vmem_shared>> -> memref<10112x128xf32, #tpu.memory_space<vmem_shared>>
        tpu.enqueue_indirect_dma source(%arg9 : memref<80x128xf32, #tpu.memory_space<vmem>>) target(%dma_start3A_68 : memref<10112x128xf32, #tpu.memory_space<vmem_shared>>) offsets(%dma_start3A_65 : memref<80xi32, #tpu.memory_space<vmem>>) semaphore(%arg17 : memref<!tpu.dma_semaphore, #tpu.memory_space<semaphore_mem>>) {add = true}
        %add3A_69 = arith.constant 1 : i32
        %add3A_70 = arith.addi %add3A_53, %add3A_69 : i32
        %mul3A_71 = arith.constant 80 : i32
        %mul3A_72 = arith.muli %add3A_70, %mul3A_71 : i32
        %dma_wait3A_73 = tpu.memref_slice %arg7[%mul3A_72] : memref<2560xi32, #tpu.memory_space<vmem>> -> memref<80xi32, #tpu.memory_space<vmem>>
        %dma_wait3A_74 = arith.constant 0 : i32
        %dma_wait3A_75 = arith.constant 0 : i32
        %dma_wait3A_76 = tpu.memref_slice %arg2[%dma_wait3A_74, %dma_wait3A_75] : memref<270000x128xf32, #tpu.memory_space<hbm>> -> memref<270000x128xf32, #tpu.memory_space<hbm>>
        tpu.wait_indirect_dma semaphore(%arg14 : memref<!tpu.dma_semaphore, #tpu.memory_space<semaphore_mem>>) src(%dma_wait3A_76 : memref<270000x128xf32, #tpu.memory_space<hbm>>) dst(%arg10 : memref<80x128xf32, #tpu.memory_space<vmem>>)
        %add3A_77 = arith.constant 1 : i32
        %add3A_78 = arith.addi %add3A_53, %add3A_77 : i32
        %dma_start3A_79 = arith.constant 0 : i32
        %dma_start3A_80 = tpu.memref_slice %arg8[%add3A_78, %dma_start3A_79] : memref<32x80xi32, #tpu.memory_space<vmem>> -> memref<1x80xi32, #tpu.memory_space<vmem>>
        %dma_start3A_81 = tpu.memref_squeeze %dma_start3A_80 : memref<1x80xi32, #tpu.memory_space<vmem>> -> memref<80xi32, #tpu.memory_space<vmem>>
        %dma_start3A_82 = arith.constant 0 : i32
        %dma_start3A_83 = arith.constant 0 : i32
        %dma_start3A_84 = tpu.memref_slice %arg21[%dma_start3A_82, %dma_start3A_83] : memref<10112x128xf32, #tpu.memory_space<vmem_shared>> -> memref<10112x128xf32, #tpu.memory_space<vmem_shared>>
        tpu.enqueue_indirect_dma source(%arg10 : memref<80x128xf32, #tpu.memory_space<vmem>>) target(%dma_start3A_84 : memref<10112x128xf32, #tpu.memory_space<vmem_shared>>) offsets(%dma_start3A_81 : memref<80xi32, #tpu.memory_space<vmem>>) semaphore(%arg18 : memref<!tpu.dma_semaphore, #tpu.memory_space<semaphore_mem>>) {add = true}
        %add3A_85 = arith.constant 2 : i32
        %add3A_86 = arith.addi %add3A_53, %add3A_85 : i32
        %mul3A_87 = arith.constant 80 : i32
        %mul3A_88 = arith.muli %add3A_86, %mul3A_87 : i32
        %dma_wait3A_89 = tpu.memref_slice %arg7[%mul3A_88] : memref<2560xi32, #tpu.memory_space<vmem>> -> memref<80xi32, #tpu.memory_space<vmem>>
        %dma_wait3A_90 = arith.constant 0 : i32
        %dma_wait3A_91 = arith.constant 0 : i32
        %dma_wait3A_92 = tpu.memref_slice %arg2[%dma_wait3A_90, %dma_wait3A_91] : memref<270000x128xf32, #tpu.memory_space<hbm>> -> memref<270000x128xf32, #tpu.memory_space<hbm>>
        tpu.wait_indirect_dma semaphore(%arg15 : memref<!tpu.dma_semaphore, #tpu.memory_space<semaphore_mem>>) src(%dma_wait3A_92 : memref<270000x128xf32, #tpu.memory_space<hbm>>) dst(%arg11 : memref<80x128xf32, #tpu.memory_space<vmem>>)
        %add3A_93 = arith.constant 2 : i32
        %add3A_94 = arith.addi %add3A_53, %add3A_93 : i32
        %dma_start3A_95 = arith.constant 0 : i32
        %dma_start3A_96 = tpu.memref_slice %arg8[%add3A_94, %dma_start3A_95] : memref<32x80xi32, #tpu.memory_space<vmem>> -> memref<1x80xi32, #tpu.memory_space<vmem>>
        %dma_start3A_97 = tpu.memref_squeeze %dma_start3A_96 : memref<1x80xi32, #tpu.memory_space<vmem>> -> memref<80xi32, #tpu.memory_space<vmem>>
        %dma_start3A_98 = arith.constant 0 : i32
        %dma_start3A_99 = arith.constant 0 : i32
        %dma_start3A_100 = tpu.memref_slice %arg21[%dma_start3A_98, %dma_start3A_99] : memref<10112x128xf32, #tpu.memory_space<vmem_shared>> -> memref<10112x128xf32, #tpu.memory_space<vmem_shared>>
        tpu.enqueue_indirect_dma source(%arg11 : memref<80x128xf32, #tpu.memory_space<vmem>>) target(%dma_start3A_100 : memref<10112x128xf32, #tpu.memory_space<vmem_shared>>) offsets(%dma_start3A_97 : memref<80xi32, #tpu.memory_space<vmem>>) semaphore(%arg19 : memref<!tpu.dma_semaphore, #tpu.memory_space<semaphore_mem>>) {add = true}
        %add3A_101 = arith.constant 3 : i32
        %add3A_102 = arith.addi %add3A_53, %add3A_101 : i32
        %mul3A_103 = arith.constant 80 : i32
        %mul3A_104 = arith.muli %add3A_102, %mul3A_103 : i32
        %dma_wait3A_105 = tpu.memref_slice %arg7[%mul3A_104] : memref<2560xi32, #tpu.memory_space<vmem>> -> memref<80xi32, #tpu.memory_space<vmem>>
        %dma_wait3A_106 = arith.constant 0 : i32
        %dma_wait3A_107 = arith.constant 0 : i32
        %dma_wait3A_108 = tpu.memref_slice %arg2[%dma_wait3A_106, %dma_wait3A_107] : memref<270000x128xf32, #tpu.memory_space<hbm>> -> memref<270000x128xf32, #tpu.memory_space<hbm>>
        tpu.wait_indirect_dma semaphore(%arg16 : memref<!tpu.dma_semaphore, #tpu.memory_space<semaphore_mem>>) src(%dma_wait3A_108 : memref<270000x128xf32, #tpu.memory_space<hbm>>) dst(%arg12 : memref<80x128xf32, #tpu.memory_space<vmem>>)
        %add3A_109 = arith.constant 3 : i32
        %add3A_110 = arith.addi %add3A_53, %add3A_109 : i32
        %dma_start3A_111 = arith.constant 0 : i32
        %dma_start3A_112 = tpu.memref_slice %arg8[%add3A_110, %dma_start3A_111] : memref<32x80xi32, #tpu.memory_space<vmem>> -> memref<1x80xi32, #tpu.memory_space<vmem>>
        %dma_start3A_113 = tpu.memref_squeeze %dma_start3A_112 : memref<1x80xi32, #tpu.memory_space<vmem>> -> memref<80xi32, #tpu.memory_space<vmem>>
        %dma_start3A_114 = arith.constant 0 : i32
        %dma_start3A_115 = arith.constant 0 : i32
        %dma_start3A_116 = tpu.memref_slice %arg21[%dma_start3A_114, %dma_start3A_115] : memref<10112x128xf32, #tpu.memory_space<vmem_shared>> -> memref<10112x128xf32, #tpu.memory_space<vmem_shared>>
        tpu.enqueue_indirect_dma source(%arg12 : memref<80x128xf32, #tpu.memory_space<vmem>>) target(%dma_start3A_116 : memref<10112x128xf32, #tpu.memory_space<vmem_shared>>) offsets(%dma_start3A_113 : memref<80xi32, #tpu.memory_space<vmem>>) semaphore(%arg20 : memref<!tpu.dma_semaphore, #tpu.memory_space<semaphore_mem>>) {add = true}
        %add3A_117 = arith.constant 0 : i32
        %add3A_118 = arith.addi %add3A_53, %add3A_117 : i32
        %dma_wait3A_119 = arith.constant 0 : i32
        %dma_wait3A_120 = tpu.memref_slice %arg8[%add3A_118, %dma_wait3A_119] : memref<32x80xi32, #tpu.memory_space<vmem>> -> memref<1x80xi32, #tpu.memory_space<vmem>>
        %dma_wait3A_121 = tpu.memref_squeeze %dma_wait3A_120 : memref<1x80xi32, #tpu.memory_space<vmem>> -> memref<80xi32, #tpu.memory_space<vmem>>
        %dma_wait3A_122 = arith.constant 0 : i32
        %dma_wait3A_123 = arith.constant 0 : i32
        %dma_wait3A_124 = tpu.memref_slice %arg21[%dma_wait3A_122, %dma_wait3A_123] : memref<10112x128xf32, #tpu.memory_space<vmem_shared>> -> memref<10112x128xf32, #tpu.memory_space<vmem_shared>>
        tpu.wait_indirect_dma semaphore(%arg17 : memref<!tpu.dma_semaphore, #tpu.memory_space<semaphore_mem>>) src(%arg9 : memref<80x128xf32, #tpu.memory_space<vmem>>) dst(%dma_wait3A_124 : memref<10112x128xf32, #tpu.memory_space<vmem_shared>>)
        %add3A_125 = arith.constant 4 : i32
        %add3A_126 = arith.addi %add3A_53, %add3A_125 : i32
        %add3A_127 = arith.constant 0 : i32
        %add3A_128 = arith.addi %add3A_126, %add3A_127 : i32
        %lt3A = arith.constant 32 : i32
        %lt3A_129 = arith.cmpi slt, %add3A_128, %lt3A : i32
        %convert_element_type3A = arith.extui %lt3A_129 : i1 to i32
        %cond3A = arith.constant 0 : i32
        %cond3A_130 = arith.cmpi ne, %convert_element_type3A, %cond3A : i32
        scf.if %cond3A_130 {
          %add3A_182 = arith.constant 4 : i32
          %add3A_183 = arith.addi %add3A_53, %add3A_182 : i32
          %add3A_184 = arith.constant 0 : i32
          %add3A_185 = arith.addi %add3A_183, %add3A_184 : i32
          %mul3A_186 = arith.constant 80 : i32
          %mul3A_187 = arith.muli %add3A_185, %mul3A_186 : i32
          %dma_start3A_188 = tpu.memref_slice %arg7[%mul3A_187] : memref<2560xi32, #tpu.memory_space<vmem>> -> memref<80xi32, #tpu.memory_space<vmem>>
          %dma_start3A_189 = arith.constant 0 : i32
          %dma_start3A_190 = arith.constant 0 : i32
          %dma_start3A_191 = tpu.memref_slice %arg2[%dma_start3A_189, %dma_start3A_190] : memref<270000x128xf32, #tpu.memory_space<hbm>> -> memref<270000x128xf32, #tpu.memory_space<hbm>>
          tpu.enqueue_indirect_dma source(%dma_start3A_191 : memref<270000x128xf32, #tpu.memory_space<hbm>>) target(%arg9 : memref<80x128xf32, #tpu.memory_space<vmem>>) offsets(%dma_start3A_188 : memref<80xi32, #tpu.memory_space<vmem>>) semaphore(%arg13 : memref<!tpu.dma_semaphore, #tpu.memory_space<semaphore_mem>>)
        } else {
        }
        %add3A_131 = arith.constant 1 : i32
        %add3A_132 = arith.addi %add3A_53, %add3A_131 : i32
        %dma_wait3A_133 = arith.constant 0 : i32
        %dma_wait3A_134 = tpu.memref_slice %arg8[%add3A_132, %dma_wait3A_133] : memref<32x80xi32, #tpu.memory_space<vmem>> -> memref<1x80xi32, #tpu.memory_space<vmem>>
        %dma_wait3A_135 = tpu.memref_squeeze %dma_wait3A_134 : memref<1x80xi32, #tpu.memory_space<vmem>> -> memref<80xi32, #tpu.memory_space<vmem>>
        %dma_wait3A_136 = arith.constant 0 : i32
        %dma_wait3A_137 = arith.constant 0 : i32
        %dma_wait3A_138 = tpu.memref_slice %arg21[%dma_wait3A_136, %dma_wait3A_137] : memref<10112x128xf32, #tpu.memory_space<vmem_shared>> -> memref<10112x128xf32, #tpu.memory_space<vmem_shared>>
        tpu.wait_indirect_dma semaphore(%arg18 : memref<!tpu.dma_semaphore, #tpu.memory_space<semaphore_mem>>) src(%arg10 : memref<80x128xf32, #tpu.memory_space<vmem>>) dst(%dma_wait3A_138 : memref<10112x128xf32, #tpu.memory_space<vmem_shared>>)
        %add3A_139 = arith.constant 4 : i32
        %add3A_140 = arith.addi %add3A_53, %add3A_139 : i32
        %add3A_141 = arith.constant 1 : i32
        %add3A_142 = arith.addi %add3A_140, %add3A_141 : i32
        %lt3A_143 = arith.constant 32 : i32
        %lt3A_144 = arith.cmpi slt, %add3A_142, %lt3A_143 : i32
        %convert_element_type3A_145 = arith.extui %lt3A_144 : i1 to i32
        %cond3A_146 = arith.constant 0 : i32
        %cond3A_147 = arith.cmpi ne, %convert_element_type3A_145, %cond3A_146 : i32
        scf.if %cond3A_147 {
          %add3A_182 = arith.constant 4 : i32
          %add3A_183 = arith.addi %add3A_53, %add3A_182 : i32
          %add3A_184 = arith.constant 1 : i32
          %add3A_185 = arith.addi %add3A_183, %add3A_184 : i32
          %mul3A_186 = arith.constant 80 : i32
          %mul3A_187 = arith.muli %add3A_185, %mul3A_186 : i32
          %dma_start3A_188 = tpu.memref_slice %arg7[%mul3A_187] : memref<2560xi32, #tpu.memory_space<vmem>> -> memref<80xi32, #tpu.memory_space<vmem>>
          %dma_start3A_189 = arith.constant 0 : i32
          %dma_start3A_190 = arith.constant 0 : i32
          %dma_start3A_191 = tpu.memref_slice %arg2[%dma_start3A_189, %dma_start3A_190] : memref<270000x128xf32, #tpu.memory_space<hbm>> -> memref<270000x128xf32, #tpu.memory_space<hbm>>
          tpu.enqueue_indirect_dma source(%dma_start3A_191 : memref<270000x128xf32, #tpu.memory_space<hbm>>) target(%arg10 : memref<80x128xf32, #tpu.memory_space<vmem>>) offsets(%dma_start3A_188 : memref<80xi32, #tpu.memory_space<vmem>>) semaphore(%arg14 : memref<!tpu.dma_semaphore, #tpu.memory_space<semaphore_mem>>)
        } else {
        }
        %add3A_148 = arith.constant 2 : i32
        %add3A_149 = arith.addi %add3A_53, %add3A_148 : i32
        %dma_wait3A_150 = arith.constant 0 : i32
        %dma_wait3A_151 = tpu.memref_slice %arg8[%add3A_149, %dma_wait3A_150] : memref<32x80xi32, #tpu.memory_space<vmem>> -> memref<1x80xi32, #tpu.memory_space<vmem>>
        %dma_wait3A_152 = tpu.memref_squeeze %dma_wait3A_151 : memref<1x80xi32, #tpu.memory_space<vmem>> -> memref<80xi32, #tpu.memory_space<vmem>>
        %dma_wait3A_153 = arith.constant 0 : i32
        %dma_wait3A_154 = arith.constant 0 : i32
        %dma_wait3A_155 = tpu.memref_slice %arg21[%dma_wait3A_153, %dma_wait3A_154] : memref<10112x128xf32, #tpu.memory_space<vmem_shared>> -> memref<10112x128xf32, #tpu.memory_space<vmem_shared>>
        tpu.wait_indirect_dma semaphore(%arg19 : memref<!tpu.dma_semaphore, #tpu.memory_space<semaphore_mem>>) src(%arg11 : memref<80x128xf32, #tpu.memory_space<vmem>>) dst(%dma_wait3A_155 : memref<10112x128xf32, #tpu.memory_space<vmem_shared>>)
        %add3A_156 = arith.constant 4 : i32
        %add3A_157 = arith.addi %add3A_53, %add3A_156 : i32
        %add3A_158 = arith.constant 2 : i32
        %add3A_159 = arith.addi %add3A_157, %add3A_158 : i32
        %lt3A_160 = arith.constant 32 : i32
        %lt3A_161 = arith.cmpi slt, %add3A_159, %lt3A_160 : i32
        %convert_element_type3A_162 = arith.extui %lt3A_161 : i1 to i32
        %cond3A_163 = arith.constant 0 : i32
        %cond3A_164 = arith.cmpi ne, %convert_element_type3A_162, %cond3A_163 : i32
        scf.if %cond3A_164 {
          %add3A_182 = arith.constant 4 : i32
          %add3A_183 = arith.addi %add3A_53, %add3A_182 : i32
          %add3A_184 = arith.constant 2 : i32
          %add3A_185 = arith.addi %add3A_183, %add3A_184 : i32
          %mul3A_186 = arith.constant 80 : i32
          %mul3A_187 = arith.muli %add3A_185, %mul3A_186 : i32
          %dma_start3A_188 = tpu.memref_slice %arg7[%mul3A_187] : memref<2560xi32, #tpu.memory_space<vmem>> -> memref<80xi32, #tpu.memory_space<vmem>>
          %dma_start3A_189 = arith.constant 0 : i32
          %dma_start3A_190 = arith.constant 0 : i32
          %dma_start3A_191 = tpu.memref_slice %arg2[%dma_start3A_189, %dma_start3A_190] : memref<270000x128xf32, #tpu.memory_space<hbm>> -> memref<270000x128xf32, #tpu.memory_space<hbm>>
          tpu.enqueue_indirect_dma source(%dma_start3A_191 : memref<270000x128xf32, #tpu.memory_space<hbm>>) target(%arg11 : memref<80x128xf32, #tpu.memory_space<vmem>>) offsets(%dma_start3A_188 : memref<80xi32, #tpu.memory_space<vmem>>) semaphore(%arg15 : memref<!tpu.dma_semaphore, #tpu.memory_space<semaphore_mem>>)
        } else {
        }
        %add3A_165 = arith.constant 3 : i32
        %add3A_166 = arith.addi %add3A_53, %add3A_165 : i32
        %dma_wait3A_167 = arith.constant 0 : i32
        %dma_wait3A_168 = tpu.memref_slice %arg8[%add3A_166, %dma_wait3A_167] : memref<32x80xi32, #tpu.memory_space<vmem>> -> memref<1x80xi32, #tpu.memory_space<vmem>>
        %dma_wait3A_169 = tpu.memref_squeeze %dma_wait3A_168 : memref<1x80xi32, #tpu.memory_space<vmem>> -> memref<80xi32, #tpu.memory_space<vmem>>
        %dma_wait3A_170 = arith.constant 0 : i32
        %dma_wait3A_171 = arith.constant 0 : i32
        %dma_wait3A_172 = tpu.memref_slice %arg21[%dma_wait3A_170, %dma_wait3A_171] : memref<10112x128xf32, #tpu.memory_space<vmem_shared>> -> memref<10112x128xf32, #tpu.memory_space<vmem_shared>>
        tpu.wait_indirect_dma semaphore(%arg20 : memref<!tpu.dma_semaphore, #tpu.memory_space<semaphore_mem>>) src(%arg12 : memref<80x128xf32, #tpu.memory_space<vmem>>) dst(%dma_wait3A_172 : memref<10112x128xf32, #tpu.memory_space<vmem_shared>>)
        %add3A_173 = arith.constant 4 : i32
        %add3A_174 = arith.addi %add3A_53, %add3A_173 : i32
        %add3A_175 = arith.constant 3 : i32
        %add3A_176 = arith.addi %add3A_174, %add3A_175 : i32
        %lt3A_177 = arith.constant 32 : i32
        %lt3A_178 = arith.cmpi slt, %add3A_176, %lt3A_177 : i32
        %convert_element_type3A_179 = arith.extui %lt3A_178 : i1 to i32
        %cond3A_180 = arith.constant 0 : i32
        %cond3A_181 = arith.cmpi ne, %convert_element_type3A_179, %cond3A_180 : i32
        scf.if %cond3A_181 {
          %add3A_182 = arith.constant 4 : i32
          %add3A_183 = arith.addi %add3A_53, %add3A_182 : i32
          %add3A_184 = arith.constant 3 : i32
          %add3A_185 = arith.addi %add3A_183, %add3A_184 : i32
          %mul3A_186 = arith.constant 80 : i32
          %mul3A_187 = arith.muli %add3A_185, %mul3A_186 : i32
          %dma_start3A_188 = tpu.memref_slice %arg7[%mul3A_187] : memref<2560xi32, #tpu.memory_space<vmem>> -> memref<80xi32, #tpu.memory_space<vmem>>
          %dma_start3A_189 = arith.constant 0 : i32
          %dma_start3A_190 = arith.constant 0 : i32
          %dma_start3A_191 = tpu.memref_slice %arg2[%dma_start3A_189, %dma_start3A_190] : memref<270000x128xf32, #tpu.memory_space<hbm>> -> memref<270000x128xf32, #tpu.memory_space<hbm>>
          tpu.enqueue_indirect_dma source(%dma_start3A_191 : memref<270000x128xf32, #tpu.memory_space<hbm>>) target(%arg12 : memref<80x128xf32, #tpu.memory_space<vmem>>) offsets(%dma_start3A_188 : memref<80xi32, #tpu.memory_space<vmem>>) semaphore(%arg16 : memref<!tpu.dma_semaphore, #tpu.memory_space<semaphore_mem>>)
        } else {
        }
      }
      %scan3A_48 = arith.constant 8 : i32
    }
    %scan3A_6 = arith.constant 4 : i32
    %barrier3A_7 = arith.constant 0 : index
    tpu.barrier barrier_id(%barrier3A_7)
    %mul3A_8 = arith.constant 632 : i32
    %mul3A_9 = arith.muli %arg1, %mul3A_8 : i32
    %mul3A_10 = arith.constant 632 : i32
    %mul3A_11 = arith.muli %arg1, %mul3A_10 : i32
    "tpu.region"() ({
      %run_scoped3A = tpu.sem_alloc : memref<!tpu.dma_semaphore, #tpu.memory_space<semaphore_mem>>
      %dma_start3A = arith.constant 0 : i32
      %dma_start3A_12 = tpu.memref_slice %arg6[%arg0, %mul3A_11, %dma_start3A] : memref<2x10112x128xf32, #tpu.memory_space<hbm>> -> memref<1x632x128xf32, #tpu.memory_space<hbm>>
      %dma_start3A_13 = tpu.memref_squeeze %dma_start3A_12 : memref<1x632x128xf32, #tpu.memory_space<hbm>> -> memref<632x128xf32, #tpu.memory_space<hbm>>
      %dma_start3A_14 = arith.constant 0 : i32
      %dma_start3A_15 = tpu.memref_slice %arg21[%mul3A_9, %dma_start3A_14] : memref<10112x128xf32, #tpu.memory_space<vmem_shared>> -> memref<632x128xf32, #tpu.memory_space<vmem_shared>>
      tpu.enqueue_dma source(%dma_start3A_15 : memref<632x128xf32, #tpu.memory_space<vmem_shared>>) target(%dma_start3A_13 : memref<632x128xf32, #tpu.memory_space<hbm>>) target_semaphore(%run_scoped3A : memref<!tpu.dma_semaphore, #tpu.memory_space<semaphore_mem>>)
      %dma_wait3A = arith.constant 0 : i32
      %dma_wait3A_16 = tpu.memref_slice %arg6[%arg0, %mul3A_11, %dma_wait3A] : memref<2x10112x128xf32, #tpu.memory_space<hbm>> -> memref<1x632x128xf32, #tpu.memory_space<hbm>>
      %dma_wait3A_17 = tpu.memref_squeeze %dma_wait3A_16 : memref<1x632x128xf32, #tpu.memory_space<hbm>> -> memref<632x128xf32, #tpu.memory_space<hbm>>
      %dma_wait3A_18 = arith.constant 0 : i32
      %dma_wait3A_19 = tpu.memref_slice %arg21[%mul3A_9, %dma_wait3A_18] : memref<10112x128xf32, #tpu.memory_space<vmem_shared>> -> memref<632x128xf32, #tpu.memory_space<vmem_shared>>
      tpu.wait_dma2 semaphore(%run_scoped3A : memref<!tpu.dma_semaphore, #tpu.memory_space<semaphore_mem>>) src(%dma_wait3A_19 : memref<632x128xf32, #tpu.memory_space<vmem_shared>>) dst(%dma_wait3A_17 : memref<632x128xf32, #tpu.memory_space<hbm>>)
      tpu.yield
    }) : () -> ()
    return
  }
}

module attributes {stable_mosaic.version = 14 : i64} {
  func.func @_mm_body(%arg0: i32, %arg1: memref<10000x128xf32, #tpu.memory_space<vmem>>, %arg2: memref<1x128x128xf32, #tpu.memory_space<vmem>>, %arg3: memref<10000x128xf32, #tpu.memory_space<vmem>>) attributes {dimension_semantics = [#tpu.dimension_semantics<arbitrary>], iteration_bounds = array<i64: 27>, scalar_prefetch = 0 : i64, scratch_operands = 0 : i64, tpu.core_type = #tpu.core_type<tc>, window_params = [{pipeline_mode = #tpu.pipeline_mode<synchronous>, transform_indices = @transform_0, window_bounds = array<i64: 10000, 128>}, {transform_indices = @transform_1, window_bounds = array<i64: 1, 128, 128>}, {transform_indices = @transform_2, window_bounds = array<i64: 10000, 128>}]} {
    %get3A = arith.constant 0 : index
    %get3A_0 = arith.constant 0 : index
    %get3A_1 = vector.load %arg1[%get3A, %get3A_0] : memref<10000x128xf32, #tpu.memory_space<vmem>>, vector<10000x128xf32>
    %get3A_2 = arith.constant 0 : index
    %get3A_3 = arith.constant 0 : index
    %get3A_4 = arith.constant 0 : index
    %get3A_5 = vector.load %arg2[%get3A_2, %get3A_3, %get3A_4] : memref<1x128x128xf32, #tpu.memory_space<vmem>>, vector<1x128x128xf32>
    %get3A_6 = vector.shape_cast %get3A_5 : vector<1x128x128xf32> to vector<128x128xf32>
    %dot_general3A = arith.constant dense<0.000000e+00> : vector<10000x128xf32>
    %dot_general3A_7 = tpu.matmul %get3A_1, %get3A_6, %dot_general3A {dimension_numbers = #tpu.dot_dimension_numbers<[1], [0], [0], [1], [0, 0, 1, 1], [], []>, transpose_lhs_hint = false} : vector<10000x128xf32>, vector<128x128xf32>, vector<10000x128xf32> -> vector<10000x128xf32>
    %swap3A = arith.constant 0 : index
    %swap3A_8 = arith.constant 0 : index
    %swap3A_9 = vector.load %arg3[%swap3A, %swap3A_8] : memref<10000x128xf32, #tpu.memory_space<vmem>>, vector<10000x128xf32>
    tpu.vector_store %arg3[%swap3A, %swap3A_8], %dot_general3A_7 {strides = array<i32>} : memref<10000x128xf32, #tpu.memory_space<vmem>>, vector<10000x128xf32>,
    return
  }
  func.func @transform_0(%arg0: i32) -> (i32, i32) {
    %c0_i32 = arith.constant 0 : i32
    %c0_i32_0 = arith.constant 0 : i32
    %c0_i32_1 = arith.constant 0 : i32
    return %c0_i32, %c0_i32_0 : i32, i32
  }
  func.func @transform_1(%arg0: i32) -> (i32, i32, i32) {
    %c0_i32 = arith.constant 0 : i32
    %c0_i32_0 = arith.constant 0 : i32
    %c0_i32_1 = arith.constant 0 : i32
    return %arg0, %c0_i32, %c0_i32_0 : i32, i32, i32
  }
  func.func @transform_2(%arg0: i32) -> (i32, i32) {
    %c0_i32 = arith.constant 0 : i32
    %c0_i32_0 = arith.constant 0 : i32
    return %arg0, %c0_i32 : i32, i32
  }
}

module attributes {stable_mosaic.version = 14 : i64} {
  func.func @_bn_body(%arg0: memref<2x10112x128xf32, #tpu.memory_space<vmem>>, %arg1: memref<1x128xf32, #tpu.memory_space<vmem>>, %arg2: memref<1x128xf32, #tpu.memory_space<vmem>>, %arg3: memref<10000x128xf32, #tpu.memory_space<vmem>>) attributes {dimension_semantics = [], scalar_prefetch = 0 : i64, scratch_operands = 0 : i64, tpu.core_type = #tpu.core_type<tc>} {
    %get3A = arith.constant 0 : index
    %get3A_0 = arith.constant 0 : index
    %get3A_1 = arith.constant 0 : index
    %get3A_2 = vector.load %arg0[%get3A, %get3A_0, %get3A_1] : memref<2x10112x128xf32, #tpu.memory_space<vmem>>, vector<1x10000x128xf32>
    %get3A_3 = vector.shape_cast %get3A_2 : vector<1x10000x128xf32> to vector<10000x128xf32>
    %get3A_4 = arith.constant 1 : index
    %get3A_5 = arith.constant 0 : index
    %get3A_6 = arith.constant 0 : index
    %get3A_7 = vector.load %arg0[%get3A_4, %get3A_5, %get3A_6] : memref<2x10112x128xf32, #tpu.memory_space<vmem>>, vector<1x10000x128xf32>
    %get3A_8 = vector.shape_cast %get3A_7 : vector<1x10000x128xf32> to vector<10000x128xf32>
    %add3A = arith.addf %get3A_3, %get3A_8 : vector<10000x128xf32>
    %reduce_sum3A = arith.constant dense<0.000000e+00> : vector<128xf32>
    %reduce_sum3A_9 = vector.multi_reduction <add>, %add3A, %reduce_sum3A [0] : vector<10000x128xf32> to vector<128xf32>
    %broadcast_in_dim3A = vector.shape_cast %reduce_sum3A_9 : vector<128xf32> to vector<1x128xf32>
    %div3A = arith.constant 1.000000e+04 : f32
    %div3A_10 = vector.broadcast %div3A : f32 to vector<1x128xf32>
    %div3A_11 = arith.divf %broadcast_in_dim3A, %div3A_10 : vector<1x128xf32>
    %sub3A = vector.broadcast %div3A_11 : vector<1x128xf32> to vector<10000x128xf32>
    %sub3A_12 = arith.subf %add3A, %sub3A : vector<10000x128xf32>
    %mul3A = arith.mulf %sub3A_12, %sub3A_12 : vector<10000x128xf32>
    %reduce_sum3A_13 = arith.constant dense<0.000000e+00> : vector<128xf32>
    %reduce_sum3A_14 = vector.multi_reduction <add>, %mul3A, %reduce_sum3A_13 [0] : vector<10000x128xf32> to vector<128xf32>
    %broadcast_in_dim3A_15 = vector.shape_cast %reduce_sum3A_14 : vector<128xf32> to vector<1x128xf32>
    %div3A_16 = arith.constant 1.000000e+04 : f32
    %div3A_17 = vector.broadcast %div3A_16 : f32 to vector<1x128xf32>
    %div3A_18 = arith.divf %broadcast_in_dim3A_15, %div3A_17 : vector<1x128xf32>
    %add3A_19 = arith.constant 9.99999974E-6 : f32
    %add3A_20 = vector.broadcast %add3A_19 : f32 to vector<1x128xf32>
    %add3A_21 = arith.addf %div3A_18, %add3A_20 : vector<1x128xf32>
    %rsqrt3A = math.rsqrt %add3A_21 : vector<1x128xf32>
    %mul3A_22 = vector.broadcast %rsqrt3A : vector<1x128xf32> to vector<10000x128xf32>
    %mul3A_23 = arith.mulf %sub3A_12, %mul3A_22 : vector<10000x128xf32>
    %get3A_24 = arith.constant 0 : index
    %get3A_25 = arith.constant 0 : index
    %get3A_26 = vector.load %arg1[%get3A_24, %get3A_25] : memref<1x128xf32, #tpu.memory_space<vmem>>, vector<1x128xf32>
    %mul3A_27 = vector.broadcast %get3A_26 : vector<1x128xf32> to vector<10000x128xf32>
    %mul3A_28 = arith.mulf %mul3A_23, %mul3A_27 : vector<10000x128xf32>
    %get3A_29 = arith.constant 0 : index
    %get3A_30 = arith.constant 0 : index
    %get3A_31 = vector.load %arg2[%get3A_29, %get3A_30] : memref<1x128xf32, #tpu.memory_space<vmem>>, vector<1x128xf32>
    %add3A_32 = vector.broadcast %get3A_31 : vector<1x128xf32> to vector<10000x128xf32>
    %add3A_33 = arith.addf %mul3A_28, %add3A_32 : vector<10000x128xf32>
    %ge3A = arith.constant 0.000000e+00 : f32
    %ge3A_34 = vector.broadcast %ge3A : f32 to vector<10000x128xf32>
    %ge3A_35 = arith.cmpf oge, %add3A_33, %ge3A_34 : vector<10000x128xf32>
    %mul3A_36 = arith.constant 0.00999999977 : f32
    %mul3A_37 = vector.broadcast %mul3A_36 : f32 to vector<10000x128xf32>
    %mul3A_38 = arith.mulf %mul3A_37, %add3A_33 : vector<10000x128xf32>
    %select_n3A = arith.select %ge3A_35, %add3A_33, %mul3A_38 : vector<10000x128xi1>, vector<10000x128xf32>
    %swap3A = arith.constant 0 : index
    %swap3A_39 = arith.constant 0 : index
    %swap3A_40 = vector.load %arg3[%swap3A, %swap3A_39] : memref<10000x128xf32, #tpu.memory_space<vmem>>, vector<10000x128xf32>
    tpu.vector_store %arg3[%swap3A, %swap3A_39], %select_n3A {strides = array<i32>} : memref<10000x128xf32, #tpu.memory_space<vmem>>, vector<10000x128xf32>,
    return
  }
}

</mosaic_0001>

<sc_bundles>
// kernel: kernel.5.cloned.1.call-start
scs
__scs_entry_jumppad:
0x0: {  	(pc) =	sbr.rel $0x88, $3  }
0x1: {  	(tag) =	ssettag $0x0;
	lr =	simm.s32 $0x1  }
0x2: {  	[smem:$0x3F9B] =	sst lr;
	_ =	strace $0xD0000000  }
0x3: {  	_ = 	snop  }
0x4: {  	_ = 	snop  }
0x5: {  	_ = 	snop  }
0x6: {  	_ = 	snop  }
0x7: {  	_ = 	snop  }
__scs_overlays_trampoline_lowered:
0x8: {  	[smem:$0x3FAA] =	sst s0  }
0x9: {  	[smem:$0x3FAB] =	sst s1  }
0xa: {  	[smem:$0x3FAC] =	sst s2  }
0xb: {  	[smem:$0x3FAD] =	sst s3  }
0xc: {  	[smem:$0x3FAE] =	sst s4  }
0xd: {  	[smem:$0x3FAF] =	sst s5  }
0xe: {  	[smem:$0x3FB0] =	sst s6  }
0xf: {  	[smem:$0x3FB1] =	sst s7  }
0x10: {  	[smem:$0x3FB2] =	sst s8  }
0x11: {  	[smem:$0x3FB3] =	sst s9;
	s0 =	simm.s32 @!p0 $0x0  }
0x12: {  	s1 =	sld [smem:$0x3F99];
	s0 =	simm.s32 @p0 $0x1  }
0x13: {  	[smem:$0x3FB4] =	sst s0;
	s0 =	simm.s32 @!p1 $0x0  }
0x14: {  	s2 =	sld [smem:$0x3F98];
	s0 =	simm.s32 @p1 $0x1  }
0x15: {  	[smem:$0x3FB5] =	sst s0;
	s0 =	simm.s32 @!p2 $0x0  }
0x16: {  	s3 =	sld [smem:$0x3FDB];
	s0 =	simm.s32 @p2 $0x1  }
0x17: {  	s4 =	simm.s32 $0x1BF5;
	[smem:$0x3FB7] =	sst s0  }
0x18: {  	s0 =	sld [smem:$0x3F9A];
	_ =	swait.ge [sflag:s4], $0x0  }
0x19: {  	s7 =	sld [smem:$0x3F9B]  }
0x1a: {  	s8 =	sadd.s32 $0xFFFFE003, lr  }
0x1b: {  	s9 =	sadd.s32 $0xFFFFFEF7, lr;
	s5 =	simm.s32 $0xFFFFFFFF;
	p2 =	slt.u32 s8, $0xFFFFF086  }
0x1c: {  	p1 =	slt.u32 s9, $0xF7A;
	s5 =	simm.s32 @!p2 $0x0  }
0x1d: {  	s5 =	simm.s32 @p1 $0x1;
	p0 =	seq.s32 s7, s2  }
0x1e: {  	s7 =	smul.u32 @!p0 $0xF7A, s2;
	p2 =	seq.s32 @!p0 s5, $0x0  }
0x1f: {  	s9 =	smul.u32 $0xF7A, s1;
	s8 =	simm.s32 @!p0 $0x1BF5;
	p2 =	por !p2, p0  }
0x20: {  	[sflag:s8] =	ssyncset.s32 @!p0 $0xFFFFF086;
	s6 =	sadd.s32 @!p0 s3, s7;
	s7 =	simm.s32 @!p0 $0x108  }
0x21: {  	s3 =	sadd.s32 s3, s9;
	s6 =	sadd.s32 @!p0 $0x88, s6;
	s7 =	simm.s32 @p2 $0x1082  }
0x22: {  	[simem:s7], [sflag:s8] =	dma.local @!p0 [hbm:s6], $0xF7A  }
0x23: {  	s9 =	sor.u32 $0xD0000000, s2;
	s6 =	simm.s32 $0x108;
	_ =	swait.ge @!p0 [sflag:s8], $0x0  }
0x24: {  	s3 =	sadd.s32 $0x88, s3;
	s6 =	simm.s32 @!p1 $0x1082;
	[sflag:s4] =	ssyncset.s32 $0xFFFFF086  }
0x25: {  	[simem:s6], [sflag:s4] =	dma.local [hbm:s3], $0xF7A  }
0x26: {  	[smem:$0x3F9B] =	sst s1;
	(tag) =	ssettag s2;
	_ =	strace s9  }
0x27: {  	s1 =	sld [smem:$0x3FAB]  }
0x28: {  	s2 =	sld [smem:$0x3FAC]  }
0x29: {  	s4 =	sld [smem:$0x3FAE]  }
0x2a: {  	p0 =	seq.s32 s5, $0x0;
	s5 =	sld [smem:$0x3FAF]  }
0x2b: {  	s6 =	sld [smem:$0x3FB0]  }
0x2c: {  	s7 =	sld [smem:$0x3FB1]  }
0x2d: {  	s3 =	simm.s32 $0x108;
	s8 =	sld [smem:$0x3FB2]  }
0x2e: {  	s3 =	simm.s32 @!p0 $0x1082;
	s9 =	sld [smem:$0x3FB3]  }
0x2f: {  	lr =	sadd.s32 s0, s3;
	s0 =	sld [smem:$0x3FAA]  }
0x30: {  	s3 =	sld [smem:$0x3FAD]  }
0x31: {  	[smem:$0x3FB6] =	sst s10  }
0x32: {  	s10 =	sld [smem:$0x3FB4];
	_ =	sdelay $0x3  }
0x33: {  	p0 =	seq.s32 s10, $0x1;
	s10 =	sld [smem:$0x3FB6];
	_ =	sdelay $0x3  }
0x34: {  	[smem:$0x3FB6] =	sst s10  }
0x35: {  	s10 =	sld [smem:$0x3FB5];
	_ =	sdelay $0x3  }
0x36: {  	p1 =	seq.s32 s10, $0x1;
	s10 =	sld [smem:$0x3FB6];
	_ =	sdelay $0x3  }
0x37: {  	[smem:$0x3FB6] =	sst s10  }
0x38: {  	s10 =	sld [smem:$0x3FB7]  }
0x39: {  	_ = 	snop;
	(pc) =	sbr.ind lr, $3  }
0x3a: {  	_ = 	snop  }
0x3b: {  	_ = 	snop  }
0x3c: {  	p2 =	seq.s32 s10, $0x1;
	s10 =	sld [smem:$0x3FB6]  }
0x3d: {  	_ =	shalt  }
0x3e: {  	_ =	shalt  }
0x3f: {  	_ =	shalt  }
0x40: {  	_ =	shalt  }
0x41: {  	_ =	shalt  }
0x42: {  	_ =	shalt  }
0x43: {  	_ =	shalt  }
0x44: {  	_ =	shalt  }
0x45: {  	_ =	shalt  }
0x46: {  	_ =	shalt  }
0x47: {  	_ =	shalt  }
0x48: {  	_ =	shalt  }
0x49: {  	_ =	shalt  }
0x4a: {  	_ =	shalt  }
0x4b: {  	_ =	shalt  }
0x4c: {  	_ =	shalt  }
0x4d: {  	_ =	shalt  }
0x4e: {  	_ =	shalt  }
0x4f: {  	_ =	shalt  }
0x50: {  	_ =	shalt  }
0x51: {  	_ =	shalt  }
0x52: {  	_ =	shalt  }
0x53: {  	_ =	shalt  }
0x54: {  	_ =	shalt  }
0x55: {  	_ =	shalt  }
0x56: {  	_ =	shalt  }
0x57: {  	_ =	shalt  }
0x58: {  	_ =	shalt  }
0x59: {  	_ =	shalt  }
0x5a: {  	_ =	shalt  }
0x5b: {  	_ =	shalt  }
0x5c: {  	_ =	shalt  }
0x5d: {  	_ =	shalt  }
0x5e: {  	_ =	shalt  }
0x5f: {  	_ =	shalt  }
0x60: {  	_ =	shalt  }
0x61: {  	_ =	shalt  }
0x62: {  	_ =	shalt  }
0x63: {  	_ =	shalt  }
0x64: {  	_ =	shalt  }
0x65: {  	_ =	shalt  }
0x66: {  	_ =	shalt  }
0x67: {  	_ =	shalt  }
0x68: {  	_ =	shalt  }
0x69: {  	_ =	shalt  }
0x6a: {  	_ =	shalt  }
0x6b: {  	_ =	shalt  }
0x6c: {  	_ =	shalt  }
0x6d: {  	_ =	shalt  }
0x6e: {  	_ =	shalt  }
0x6f: {  	_ =	shalt  }
0x70: {  	_ =	shalt  }
0x71: {  	_ =	shalt  }
0x72: {  	_ =	shalt  }
0x73: {  	_ =	shalt  }
0x74: {  	_ =	shalt  }
0x75: {  	_ =	shalt  }
0x76: {  	_ =	shalt  }
0x77: {  	_ =	shalt  }
0x78: {  	_ =	shalt  }
0x79: {  	_ =	shalt  }
0x7a: {  	_ =	shalt  }
0x7b: {  	_ =	shalt  }
0x7c: {  	_ =	shalt  }
0x7d: {  	_ =	shalt  }
0x7e: {  	_ =	shalt  }
0x7f: {  	_ =	shalt  }
0x80: {  	_ =	shalt  }
0x81: {  	_ =	shalt  }
0x82: {  	_ =	shalt  }
0x83: {  	_ =	shalt  }
0x84: {  	_ =	shalt  }
0x85: {  	_ =	shalt  }
0x86: {  	_ =	shalt  }
0x87: {  	_ =	shalt  }
.Lfunc_end0:
.L_simem_size_0:
called_computation_lowered:
.L_overlay_start_0:
0x88: {  	s2 =	sld [smem:$0x3FD9]  }
0x89: {  	s3 =	sld [smem:$0x3FFE];
	_ =	sdelay $0x1  }
0x8a: {  	s1 =	srdreg.scid  }
0x8b: {  	s0 =	sand.u32 $0x1, s1  }
0x8c: {  	s17 =	sshll.u32 s0, $0xA;
	s2 =	sadd.s32 s3, s2  }
0x8d: {  	s2 =	sadd.s32 s2, s17  }
0x8e: {  	[smem:$0x3FC2] =	sst s2  }
0x8f: {  	_ = 	snop  }
0x90: {  	s2 =	sld [smem:$0x3FD0];
	(tm) =	ssettm $0x1  }
0x91: {  	s18 =	sld [smem:$0x3FFB];
	_ =	sdelay $0x3  }
0x92: {  	_ =	strace s18  }
0x93: {  	s3 =	sld [smem:$0x3FFC];
	_ =	sdelay $0x3  }
0x94: {  	_ =	strace s3  }
0x95: {  	s3 =	sld [smem:$0x3FFD];
	_ =	sdelay $0x3  }
0x96: {  	_ =	strace s3  }
0x97: {  	_ =	strace $0x8FFFFFFF  }
0x98: {  	s19 =	sld [smem:$0x3FDB];
	_ =	sdelay $0x1  }
0x99: {  	s4 =	simm.s32 $_scs_section_size  }
0x9a: {  	s5 =	simm.s32 $_size__tile_overlayer_lowered;
	s6 =	simm.s32 $_tile_overlayer_lowered  }
0x9b: {  	s22 =	simm.s32 $0x1BFF;
	s21 =	sshll.u32 s6, $0x1;
	s3 =	sadd.s32 s4, s19  }
0x9c: {  	s7 =	simm.s32 $0x0;
	s20 =	sshll.u32 s5, $0x1;
	s5 =	sadd.s32 s21, s3  }
0x9d: {  	[timem:s7], [sflag:s22] =	dma.local [hbm:s5], s20  }
0x9e: {  	_ =	swait.ge [sflag:s22], s20  }
0x9f: {  	s4 =	ssub.s32 $0x0, s20;
	[sflag:s22] =	ssyncset.done $0x0  }
0xa0: {  	[sflag:s22] =	ssyncadd.s32 s4;
	_ =	sdelay $0x1  }
0xa1: {  	s23 =	simm.s32 $0x1B8B  }
0xa2: {  	_ =	swait.ge [sflag:s23], $0x1  }
0xa3: {  	[sflag:s23] =	ssyncset.done $0x0  }
0xa4: {  	s25 =	simm.s32 $0x1B8E;
	s24 =	sld [smem:$0x3FFE];
	[sflag:s23] =	ssyncadd.s32 $0xFFFFFFFF  }
0xa5: {  	s26 =	simm.s32 $execute0_lowered;
	[smem:$0x3FD2] =	sst s25  }
0xa6: {  	s5 =	sshll.u32 s26, $0x1;
	_ =	strace $0x80000046;
	[dreg:$0x1] =	wrdreg $0xFFFFFFFF  }
0xa7: {  	s28 =	simm.s32 $_size_execute0_lowered;
	s3 =	sadd.s32 s3, s5;
	[dreg:$0x0] =	wrdreg $0x0  }
0xa8: {  	s5 =	sshll.u32 s28, $0x1;
	[dreg:$0x2] =	wrdreg s3  }
0xa9: {  	[dreg:$0x3] =	wrdreg s5  }
0xaa: {  	[dreg:$0x4] =	wrdreg $0xC0  }
0xab: {  	_ =	task [dreg:s7], $0x5FFFF  }
0xac: {  	[dreg:$0x1] =	wrdreg $0xFFFFFFFF  }
0xad: {  	[dreg:$0x0] =	wrdreg $0x60  }
0xae: {  	[dreg:$0x2] =	wrdreg s24  }
0xaf: {  	[dreg:$0x3] =	wrdreg s2  }
0xb0: {  	[dreg:$0x4] =	wrdreg $0xBA000  }
0xb1: {  	[dreg:$0x5] =	wrdreg $0x9  }
0xb2: {  	_ =	task.clear_ibuf [dreg:s7], $0x6FFFF;
	_ =	strace $0x90000046  }
0xb3: {  	s29 =	simm.s32 $0x9;
	_ =	strace $0x80000048  }
0xb4: {  	_ =	swait.ge [sflag:s29], $0x1  }
0xb5: {  	[sflag:s29] =	ssyncadd.s32 $0xFFFFFFFF  }
0xb6: {  	_ =	strace $0x90000048  }
0xb7: {  	_ =	sfence  }
0xb8: {  	s30 =	sld [smem:$0x0];
	_ =	sdelay $0x2  }
0xb9: {  	s31 =	sshll.u32 s1, $0xD;
	s1 =	sshrl.u32 s1, $0x2  }
0xba: {  	s3 =	sand.u32 $0x4000, s31;
	s1 =	sadd.s32 s1, s30  }
0xbb: {  	s0 =	sor.u32 s3, s0;
	s1 =	sshll.u32 s1, $0x11  }
0xbc: {  	s0 =	sor.u32 s1, s0  }
0xbd: {  	s0 =	sadd.s32 $0x8F2B, s0  }
0xbe: {  	[sflag:s0] =	ssyncadd.remote.s32 $0x1  }
0xbf: {  	_ =	sfence.sel $0xFFFF  }
0xc0: {  	[dreg:$0x0] =	wrdreg $0xFFFFFFFF;
	(pc) =	sbr.abs _section_cstart, $3  }
0xc1: {  	[dreg:$0x1] =	wrdreg $0xFFFFFFFF  }
0xc2: {  	_ =	task.clear_ibuf [dreg:s7], $0x2FFFF;
	_ =	strace $0x9FFFFFFF  }
0xc3: {  	(tm) =	ssettm $0x7FFFFFFF  }
tec
execute0_lowered:
.L_overlay_start_1:
0x0: {  	(tag) =	ssettag $0x1  }
0x1: {  	s0 =	rddreg [dreg:$0x0]  }
0x2: {  	s2 =	rddreg [dreg:$0x2]  }
0x3: {  	s4 =	simm.s32 $0x0;
	s3 =	srdreg.scid;
	s1 =	stileid.u32  }
0x4: {  	s13 =	simm.s32 $0x9;
	s14 =	simm.s32 $0xA00;
	s15 =	simm.s32 $0x50  }
0x5: {  	s16 =	simm.s32 $0x1A00;
	s17 =	simm.s32 $0x4200;
	s18 =	simm.s32 $0xA0  }
0x6: {  	s19 =	simm.s32 $0x6A00;
	s20 =	simm.s32 $0xF0;
	s28 =	simm.s32 $0x6  }
0x7: {  	s29 =	simm.s32 $0x7;
	s30 =	simm.s32 $0x8;
	s31 =	simm.s32 $0x1800  }
0x8: {  	[smem:$0x7FF] =	sst s4;
	s3 =	sand.u32 $0x1, s3;
	s7 =	smul.u32 $0x13C00, s1  }
0x9: {  	s5 =	sadd.s32 $0xAE00, s0;
	s8 =	sadd.s32 $0x429A00, s0;
	s9 =	smul.u32 $0x4F000, s1  }
0xa: {  	s24 =	sshll.u32 s1, $0x6;
	s25 =	sshll.u32 s1, $0x3;
	s6 =	smul.u32 $0x13C000, s3  }
0xb: {  	_ =	strace $0x80000047;
	[dreg:$0x5] =	wrdreg s8;
	s21 =	ssub.s32 $0x2, s3  }
0xc: {  	s3 =	sshll.u32 s3, $0x2;
	s11 =	sor.u32 $0x1C09, s24;
	s24 =	simm.s32 $0x3  }
0xd: {  	s10 =	sshrl.u32 s21, $0x1;
	s23 =	sshrl.u32 s9, $0x2;
	s9 =	sor.u32 s3, s25  }
0xe: {  	s25 =	simm.s32 $0x4;
	s3 =	simm.s32 $0x1900;
	[dreg:$0x6] =	wrdreg s11  }
0xf: {  	s6 =	sadd.s32 s7, s6;
	s7 =	sadd.s32 $0xE00, s0;
	s22 =	ssub.s32 s21, s10  }
0x10: {  	s8 =	sadd.s32 s23, s2;
	s21 =	simm.s32 $0x9200;
	s23 =	simm.s32 $0x2  }
0x11: {  	s6 =	sshrl.u32 s6, $0x3;
	s26 =	smax.u32 s22, $0x1;
	s8 =	sshrl.u32 s8, $0x3  }
0x12: {  	s22 =	simm.s32 $0x1;
	s0 =	sadd.s32 s6, s0;
	[dreg:$0x8] =	wrdreg s26  }
0x13: {  	s26 =	simm.s32 $0x5;
	[dreg:$0x9] =	wrdreg s8;
	s0 =	sadd.s32 $0x42C200, s0  }
0x14: {  	s6 =	simm.s32 $0x1980;
	[dreg:$0x7] =	wrdreg s0;
	s0 =	simm.s32 $0x1880  }
.LBB2_1:
0x15: {  	[dreg:$0x4] =	wrdreg s4  }
0x16: {  	s1 =	rddreg [dreg:$0x5]  }
0x17: {  	[spmem:s8], [sflag:s11] =	dma.local [hbm:s1], $0x2780  }
0x18: {  	_ =	swait.ge [sflag:s13], $0x2780  }
0x19: {  	[sflag:s13] =	ssyncset.done $0x0  }
0x1a: {  	[sflag:s13] =	ssyncadd.s32 $0xFFFFD880  }
0x1b: {  	s10 =	simm.s32 $0x0;
	[bflag:$0x0] =	sbarrier.arrive $0xFFFF  }
.LBB2_2:
0x1c: {  	s8 =	sadd.s32 s9, s10  }
0x1d: {  	s11 =	smul.u32 $0x140, s8;
	_ =	sdelay $0x1  }
0x1e: {  	s12 =	simm.s32 $0x0;
	s11 =	sadd.s32 s7, s11  }
0x1f: {  	[tilespmem:s12], [sflag:$0x9] =	stream.linear.gather [hbm4b:s11+s12], $0xA00, $0x38;
	[tilespmem:$0x1F600] =	vst v63  }
0x20: {  	_ =	swait.ge [sflag:s13], $0xA00  }
0x21: {  	[sflag:s13] =	ssyncset.done $0x0  }
0x22: {  	[sflag:s13] =	ssyncadd.s32 $0xFFFFF600  }
0x23: {  	s8 =	sshll.u32 s8, $0x9;
	s1 =	rddreg [dreg:$0x1]  }
0x24: {  	s8 =	sadd.s32 s1, s8  }
0x25: {  	[tilespmem:s14], [sflag:$0x9] =	stream.linear.gather [hbm4b:s8+s12], $0x1000, $0x38;
	[tilespmem:$0x1F600] =	vst v63  }
0x26: {  	_ =	swait.ge [sflag:s13], $0x1000  }
0x27: {  	[sflag:s13] =	ssyncset.done $0x0  }
0x28: {  	[sflag:s13] =	ssyncadd.s32 $0xFFFFF000  }
0x29: {  	[tilespmem:s16], [sflag:$0x1] =	stream.indirect.gather [hbm4b:s5+s15], $0x80, s12, s15, $0xb8;
	[tilespmem:$0x1F600] =	vst v63  }
0x2a: {  	_ = 	snop  }
0x2b: {  	[tilespmem:s17], [sflag:$0x2] =	stream.indirect.gather [hbm4b:s5+s15], $0x80, s15, s15, $0xb8;
	[tilespmem:$0x1F600] =	vst v63  }
0x2c: {  	_ = 	snop  }
0x2d: {  	[tilespmem:s19], [sflag:$0x3] =	stream.indirect.gather [hbm4b:s5+s15], $0x80, s18, s15, $0xb8;
	[tilespmem:$0x1F600] =	vst v63  }
0x2e: {  	_ = 	snop  }
0x2f: {  	[tilespmem:s21], [sflag:$0x4] =	stream.indirect.gather [hbm4b:s5+s15], $0x80, s20, s15, $0xb8;
	[tilespmem:$0x1F600] =	vst v63  }
0x30: {  	_ =	swait.ge [sflag:s22], $0x2800  }
0x31: {  	[sflag:s22] =	ssyncset.done $0x0  }
0x32: {  	s4 =	simm.s32 $0xA00;
	[sflag:s22] =	ssyncadd.s32 $0xFFFFD800  }
0x33: {  	[spmem:s2] =	stream.indirect.scatter.add.f32 [tilespmem:s16], [sflag:$0x5], $0x80, s4, s15, $0xb8;
	[tilespmem:$0x1F600] =	vst v63  }
0x34: {  	_ =	swait.ge [sflag:s23], $0x2800  }
0x35: {  	[sflag:s23] =	ssyncset.done $0x0  }
0x36: {  	s11 =	simm.s32 $0xA80;
	[sflag:s23] =	ssyncadd.s32 $0xFFFFD800  }
0x37: {  	[spmem:s2] =	stream.indirect.scatter.add.f32 [tilespmem:s17], [sflag:$0x6], $0x80, s11, s15, $0xb8;
	[tilespmem:$0x1F600] =	vst v63  }
0x38: {  	_ =	swait.ge [sflag:s24], $0x2800  }
0x39: {  	[sflag:s24] =	ssyncset.done $0x0  }
0x3a: {  	s12 =	simm.s32 $0xB00;
	[sflag:s24] =	ssyncadd.s32 $0xFFFFD800  }
0x3b: {  	[spmem:s2] =	stream.indirect.scatter.add.f32 [tilespmem:s19], [sflag:$0x7], $0x80, s12, s15, $0xb8;
	[tilespmem:$0x1F600] =	vst v63  }
0x3c: {  	_ =	swait.ge [sflag:s25], $0x2800  }
0x3d: {  	[sflag:s25] =	ssyncset.done $0x0  }
0x3e: {  	s1 =	simm.s32 $0xB80;
	[sflag:s25] =	ssyncadd.s32 $0xFFFFD800  }
0x3f: {  	[spmem:s2] =	stream.indirect.scatter.add.f32 [tilespmem:s21], [sflag:$0x8], $0x80, s1, s15, $0xb8;
	[tilespmem:$0x1F600] =	vst v63  }
0x40: {  	_ =	swait.ge [sflag:s26], $0x2800  }
0x41: {  	[sflag:s26] =	ssyncset.done $0x0  }
0x42: {  	s4 =	simm.s32 $0x140;
	[sflag:s26] =	ssyncadd.s32 $0xFFFFD800  }
0x43: {  	[tilespmem:s16], [sflag:$0x1] =	stream.indirect.gather [hbm4b:s5+s15], $0x80, s4, s15, $0xb8;
	[tilespmem:$0x1F600] =	vst v63  }
0x44: {  	_ =	swait.ge [sflag:s28], $0x2800  }
0x45: {  	[sflag:s28] =	ssyncset.done $0x0  }
0x46: {  	s11 =	simm.s32 $0x190;
	[sflag:s28] =	ssyncadd.s32 $0xFFFFD800  }
0x47: {  	[tilespmem:s17], [sflag:$0x2] =	stream.indirect.gather [hbm4b:s5+s15], $0x80, s11, s15, $0xb8;
	[tilespmem:$0x1F600] =	vst v63  }
0x48: {  	_ =	swait.ge [sflag:s29], $0x2800  }
0x49: {  	[sflag:s29] =	ssyncset.done $0x0  }
0x4a: {  	s12 =	simm.s32 $0x1E0;
	[sflag:s29] =	ssyncadd.s32 $0xFFFFD800  }
0x4b: {  	[tilespmem:s19], [sflag:$0x3] =	stream.indirect.gather [hbm4b:s5+s15], $0x80, s12, s15, $0xb8;
	[tilespmem:$0x1F600] =	vst v63  }
0x4c: {  	_ =	swait.ge [sflag:s30], $0x2800  }
0x4d: {  	s8 =	simm.s32 $0x800;
	[sflag:s30] =	ssyncset.done $0x0  }
0x4e: {  	s11 =	simm.s32 $0x230;
	s12 =	simm.s32 $0x370;
	[sflag:s30] =	ssyncadd.s32 $0xFFFFD800  }
.LBB2_3:
0x4f: {  	[tilespmem:s21], [sflag:$0x4] =	stream.indirect.gather [hbm4b:s5+s15], $0x80, s11, s15, $0xb8;
	[tilespmem:$0x1F600] =	vst v63  }
0x50: {  	s4 =	smov.u32 s8;
	s11 =	smov.u32 s12  }
0x51: {  	p0 =	sne.s32 s8, $0x3000;
	s8 =	sadd.s32 $0x800, s8;
	_ =	swait.ge [sflag:s22], $0x2800  }
0x52: {  	s4 =	sshra.s32 s4, $0x2;
	[sflag:s22] =	ssyncset.done $0x0  }
0x53: {  	s1 =	sadd.s32 $0xA00, s4;
	[sflag:s22] =	ssyncadd.s32 $0xFFFFD800  }
0x54: {  	[spmem:s2] =	stream.indirect.scatter.add.f32 [tilespmem:s16], [sflag:$0x5], $0x80, s1, s15, $0xb8;
	[tilespmem:$0x1F600] =	vst v63  }
0x55: {  	_ =	swait.ge [sflag:s23], $0x2800  }
0x56: {  	[sflag:s23] =	ssyncset.done $0x0  }
0x57: {  	s1 =	sadd.s32 $0xA80, s4;
	[sflag:s23] =	ssyncadd.s32 $0xFFFFD800  }
0x58: {  	[spmem:s2] =	stream.indirect.scatter.add.f32 [tilespmem:s17], [sflag:$0x6], $0x80, s1, s15, $0xb8;
	[tilespmem:$0x1F600] =	vst v63  }
0x59: {  	_ =	swait.ge [sflag:s24], $0x2800  }
0x5a: {  	[sflag:s24] =	ssyncset.done $0x0  }
0x5b: {  	s1 =	sadd.s32 $0xB00, s4;
	[sflag:s24] =	ssyncadd.s32 $0xFFFFD800  }
0x5c: {  	[spmem:s2] =	stream.indirect.scatter.add.f32 [tilespmem:s19], [sflag:$0x7], $0x80, s1, s15, $0xb8;
	[tilespmem:$0x1F600] =	vst v63  }
0x5d: {  	_ =	swait.ge [sflag:s25], $0x2800  }
0x5e: {  	[sflag:s25] =	ssyncset.done $0x0  }
0x5f: {  	s1 =	sadd.s32 $0xB80, s4;
	[sflag:s25] =	ssyncadd.s32 $0xFFFFD800  }
0x60: {  	[spmem:s2] =	stream.indirect.scatter.add.f32 [tilespmem:s21], [sflag:$0x8], $0x80, s1, s15, $0xb8;
	[tilespmem:$0x1F600] =	vst v63  }
0x61: {  	_ =	swait.ge [sflag:s26], $0x2800  }
0x62: {  	[sflag:s26] =	ssyncset.done $0x0  }
0x63: {  	s1 =	sadd.s32 $0xFFFFFF10, s12;
	[sflag:s26] =	ssyncadd.s32 $0xFFFFD800  }
0x64: {  	[tilespmem:s16], [sflag:$0x1] =	stream.indirect.gather [hbm4b:s5+s15], $0x80, s1, s15, $0xb8;
	[tilespmem:$0x1F600] =	vst v63  }
0x65: {  	_ =	swait.ge [sflag:s28], $0x2800  }
0x66: {  	[sflag:s28] =	ssyncset.done $0x0  }
0x67: {  	s1 =	sadd.s32 $0xFFFFFF60, s12;
	[sflag:s28] =	ssyncadd.s32 $0xFFFFD800  }
0x68: {  	[tilespmem:s17], [sflag:$0x2] =	stream.indirect.gather [hbm4b:s5+s15], $0x80, s1, s15, $0xb8;
	[tilespmem:$0x1F600] =	vst v63  }
0x69: {  	_ =	swait.ge [sflag:s29], $0x2800  }
0x6a: {  	[sflag:s29] =	ssyncset.done $0x0  }
.Ltmp0:
0x6b: {  	s1 =	sadd.s32 $0xFFFFFFB0, s12;
	[sflag:s29] =	ssyncadd.s32 $0xFFFFD800;
	(pc) =	sbr.rel @p0 .LBB2_3-.Ltmp0, $4  }
0x6c: {  	[tilespmem:s19], [sflag:$0x3] =	stream.indirect.gather [hbm4b:s5+s15], $0x80, s1, s15, $0xb8;
	[tilespmem:$0x1F600] =	vst v63  }
0x6d: {  	_ =	swait.ge [sflag:s30], $0x2800  }
0x6e: {  	[sflag:s30] =	ssyncset.done $0x0  }
0x6f: {  	s12 =	sadd.s32 $0x140, s12;
	[sflag:s30] =	ssyncadd.s32 $0xFFFFD800  }
0x70: {  	[tilespmem:s21], [sflag:$0x4] =	stream.indirect.gather [hbm4b:s5+s15], $0x80, s11, s15, $0xb8;
	[tilespmem:$0x1F600] =	vst v63  }
0x71: {  	_ =	swait.ge [sflag:s22], $0x2800  }
0x72: {  	[sflag:s22] =	ssyncset.done $0x0  }
0x73: {  	[sflag:s22] =	ssyncadd.s32 $0xFFFFD800  }
0x74: {  	[spmem:s2] =	stream.indirect.scatter.add.f32 [tilespmem:s16], [sflag:$0x5], $0x80, s31, s15, $0xb8;
	[tilespmem:$0x1F600] =	vst v63  }
0x75: {  	_ =	swait.ge [sflag:s23], $0x2800  }
0x76: {  	[sflag:s23] =	ssyncset.done $0x0  }
0x77: {  	[sflag:s23] =	ssyncadd.s32 $0xFFFFD800  }
0x78: {  	[spmem:s2] =	stream.indirect.scatter.add.f32 [tilespmem:s17], [sflag:$0x6], $0x80, s0, s15, $0xb8;
	[tilespmem:$0x1F600] =	vst v63  }
0x79: {  	_ =	swait.ge [sflag:s24], $0x2800  }
0x7a: {  	[sflag:s24] =	ssyncset.done $0x0  }
0x7b: {  	[sflag:s24] =	ssyncadd.s32 $0xFFFFD800  }
0x7c: {  	[spmem:s2] =	stream.indirect.scatter.add.f32 [tilespmem:s19], [sflag:$0x7], $0x80, s3, s15, $0xb8;
	[tilespmem:$0x1F600] =	vst v63  }
0x7d: {  	_ =	swait.ge [sflag:s25], $0x2800  }
0x7e: {  	[sflag:s25] =	ssyncset.done $0x0  }
0x7f: {  	[sflag:s25] =	ssyncadd.s32 $0xFFFFD800  }
0x80: {  	[spmem:s2] =	stream.indirect.scatter.add.f32 [tilespmem:s21], [sflag:$0x8], $0x80, s6, s15, $0xb8;
	[tilespmem:$0x1F600] =	vst v63  }
0x81: {  	_ =	swait.ge [sflag:s26], $0x2800  }
0x82: {  	[sflag:s26] =	ssyncset.done $0x0  }
0x83: {  	[sflag:s26] =	ssyncadd.s32 $0xFFFFD800  }
0x84: {  	_ =	swait.ge [sflag:s28], $0x2800  }
0x85: {  	[sflag:s28] =	ssyncset.done $0x0  }
0x86: {  	s10 =	sadd.s32 $0x1, s10;
	[sflag:s28] =	ssyncadd.s32 $0xFFFFD800  }
0x87: {  	p0 =	sne.s32 s10, $0x4;
	_ =	swait.ge [sflag:s29], $0x2800  }
.Ltmp1:
0x88: {  	[sflag:s29] =	ssyncset.done $0x0;
	(pc) =	sbr.rel @p0 .LBB2_2-.Ltmp1, $4  }
0x89: {  	[sflag:s29] =	ssyncadd.s32 $0xFFFFD800  }
0x8a: {  	_ =	swait.ge [sflag:s30], $0x2800  }
0x8b: {  	[sflag:s30] =	ssyncset.done $0x0  }
0x8c: {  	[sflag:s30] =	ssyncadd.s32 $0xFFFFD800  }
0x8d: {  	[bflag:$0x0] =	sbarrier.arrive $0xFFFF  }
0x8e: {  	s11 =	rddreg [dreg:$0x6]  }
0x8f: {  	s1 =	rddreg [dreg:$0x7]  }
0x90: {  	s8 =	rddreg [dreg:$0x9]  }
0x91: {  	[hbm:s1], [sflag:s11] =	dma.local [spmem:s8], $0x2780  }
0x92: {  	_ =	swait.ge [sflag:s13], $0x2780  }
0x93: {  	s4 =	rddreg [dreg:$0x4]  }
0x94: {  	s12 =	rddreg [dreg:$0x8];
	s4 =	sadd.s32 $0x1, s4  }
0x95: {  	p0 =	sne.s32 s4, s12  }
.Ltmp2:
0x96: {  	_ = 	snop;
	(pc) =	sbr.rel @p0 .LBB2_1-.Ltmp2, $3  }
0x97: {  	_ =	sdelay $0x1  }
0x98: {  	[sflag:s13] =	ssyncset.done $0x0  }
0x99: {  	[sflag:s13] =	ssyncadd.s32 $0xFFFFD880  }
0x9a: {  	_ =	sfence.sel $0x180000  }
0x9b: {  	[bflag:$0x0] =	sbarrier.arrive $0xFFFF  }
0x9c: {  	_ =	strace $0x90000047  }
0x9d: {  	s0 =	stileid.u32;
	[bflag:$0x2] =	sbarrier.arrive $0xFFFF  }
0x9e: {  	p0 =	sne.s32 s0, $0x0;
	s0 =	rddreg [dreg:$0x3]  }
0x9f: {  	s0 =	sadd.s32 @!p0 $0x100000, s0  }
0xa0: {  	[sflag:s0] =	ssyncadd.tile.s32 @!p0 $0x1;
	_ =	shalt  }
.Lfunc_end2:
_tile_overlayer_lowered:
.L_overlay_start_2:
0xa1: {  	(tag) =	ssettag $0x2  }
0xa2: {  	s0 =	rddreg [dreg:$0x0];
	s2 =	stileid.u32  }
0xa3: {  	s1 =	rddreg [dreg:$0x1];
	p0 =	sne.s32 s2, $0x0  }
0xa4: {  	s3 =	rddreg [dreg:$0x2];
	[bflag:$0x3] =	sbarrier.arrive $0xFFFF;
	s2 =	simm.s32 @!p0 $0x1C09  }
0xa5: {  	[timem:s3], [sflag:s2] =	dma.local @!p0 [hbm:s0], s1  }
0xa6: {  	s0 =	simm.s32 @!p0 $0x9  }
0xa7: {  	_ =	swait.ge @!p0 [sflag:s0], s1  }
0xa8: {  	s1 =	ssub.s32 @!p0 $0x0, s1;
	[sflag:s0] =	ssyncset.done @!p0 $0x0  }
0xa9: {  	[sflag:s0] =	ssyncadd.s32 @!p0 s1  }
0xaa: {  	[bflag:$0x3] =	sbarrier.arrive $0xFFFF  }
0xab: {  	_ =	shalt  }

</sc_bundles>
